<compile_context>
chip_gen: v7x
topology: tpu7x:2x2x1
jax: 0.10.2.dev20260603
libtpu: 0.0.44.dev20260713+nightly
codegen_flags: <defaults>
</compile_context>

<pallas_src>
import functools

import jax
import jax.numpy as jnp
from jax import lax
from jax.experimental import pallas as pl
from jax.experimental.pallas import tpu as pltpu
from jax.experimental.pallas import tpu_sc as plsc

_SU, _SL, _TU, _TL = 1000.0, 0.0, 500.0, 0.0
_BB = 2
_DPAD = 128


def _pick_rows_per_worker(n_rows):
    for b_per_w in (128, 64, 32, 16, 8):
        if n_rows % b_per_w == 0 and n_rows // b_per_w <= 32:
            return b_per_w
    return None


def _sc_gather(table, idx, n_rows):
    info = plsc.get_sparse_core_info()
    b_per_w = _pick_rows_per_worker(n_rows)
    n_active = n_rows // b_per_w
    d = table.shape[1]
    mesh = plsc.VectorSubcoreMesh(core_axis_name="c", subcore_axis_name="s")

    @functools.partial(
        pl.kernel, mesh=mesh,
        out_type=jax.ShapeDtypeStruct((n_rows, d), jnp.float32),
        scratch_types=[
            pltpu.VMEM((b_per_w,), jnp.int32),
            pltpu.VMEM((b_per_w, d), jnp.float32),
            pltpu.SemaphoreType.DMA,
        ],
    )
    def k(table_hbm, idx_hbm, out_hbm, idx_v, rows_v, sem):
        wid = lax.axis_index("s") * info.num_cores + lax.axis_index("c")

        @pl.when(wid < n_active)
        def _():
            base = wid * b_per_w
            pltpu.sync_copy(idx_hbm.at[pl.ds(base, b_per_w)], idx_v)
            pltpu.async_copy(table_hbm.at[idx_v], rows_v, sem).wait()
            pltpu.sync_copy(rows_v, out_hbm.at[pl.ds(base, b_per_w)])

    return k(table, idx)


def _expand_kernel(len_ref, lmax_ref,
                   ds_ref, su_ref, sl_ref, tu_ref, tl_ref,
                   out_ref):
    s = pl.program_id(0)
    bb, m_sz, l, e = out_ref.shape
    rows = bb * m_sz

    lmax = lmax_ref[0]
    r_pp = jax.lax.broadcasted_iota(jnp.int32, (rows, 1), 0)
    m_pp = r_pp % m_sz
    tlen = len_ref[s * bb]
    for t in range(1, bb):
        tlen = jnp.where(r_pp >= t * m_sz, len_ref[s * bb + t], tlen)
    v2 = m_pp < tlen
    col_ok = jax.lax.broadcasted_iota(jnp.int32, (rows, l), 1) < lmax
    ds = jnp.where(v2 & col_ok, ds_ref[0, :, :l], 0.0)

    a_tab = (sl_ref[...] * _SU - su_ref[...] * _SL) * (1.0 / (_SU - _SL)) + \
            (tl_ref[...] * _TU - tu_ref[...] * _TL) * (1.0 / (_TU - _TL))
    b_tab = (su_ref[...] - sl_ref[...]) * (1.0 / (_SU - _SL)) + \
            (tu_ref[...] - tl_ref[...]) * (1.0 / (_TU - _TL))
    a_v = jnp.where(v2, a_tab[1:2, :], a_tab[0:1, :])
    b_v = jnp.where(v2, b_tab[1:2, :], b_tab[0:1, :])

    val = a_v[:, None, :] + b_v[:, None, :] * ds[:, :, None]
    for t in range(bb):
        out_ref[t] = val[t * m_sz:(t + 1) * m_sz]


def kernel(traj_loc, mat2, vec, traj_len, l_max, emb_su, emb_sl, emb_tu, emb_tl):
    del vec
    b_sz, m_sz = traj_loc.shape
    n_loc, l_sz = mat2.shape
    e_sz = emb_su.shape[1]
    bb = _BB if b_sz % _BB == 0 else 1
    grid = (b_sz // bb,)
    rows = bb * m_sz

    table = jnp.pad(mat2, ((1, 0), (0, _DPAD - l_sz)))
    n_pairs = b_sz * m_sz
    idx = traj_loc.astype(jnp.int32).reshape(-1)
    ds_rows = _sc_gather(table, idx, n_pairs)
    ds3 = ds_rows.reshape(n_pairs // rows, rows, _DPAD)

    lmax_arr = jnp.asarray(l_max, jnp.int32).reshape(1)
    full = lambda s, *refs: (0, 0)

    out = pl.pallas_call(
        _expand_kernel,
        grid_spec=pltpu.PrefetchScalarGridSpec(
            num_scalar_prefetch=2,
            grid=grid,
            in_specs=[
                pl.BlockSpec((1, rows, _DPAD), lambda s, *refs: (s, 0, 0)),
                pl.BlockSpec((2, e_sz), full),
                pl.BlockSpec((2, e_sz), full),
                pl.BlockSpec((2, e_sz), full),
                pl.BlockSpec((2, e_sz), full),
            ],
            out_specs=pl.BlockSpec((bb, m_sz, l_sz, e_sz),
                                   lambda s, *refs: (s, 0, 0, 0)),
        ),
        out_shape=jax.ShapeDtypeStruct((b_sz, m_sz, l_sz, e_sz), jnp.float32),
    )(traj_len.astype(jnp.int32), lmax_arr,
      ds3, emb_su, emb_sl, emb_tu, emb_tl)
    return out

# --- scband reference (transcript-rebuilt; emitter-appended) ---
"""Pipeline reference for scband-embed-38766374814290 (READ-ONLY COPY).

The authoritative reference and input builder live on the scoring server;
editing this copy changes nothing except your own understanding.
"""

import jax, jax.numpy as jnp
import numpy as np

SU, SL, TU, TL = 1000.0, 0.0, 500.0, 0.0
EMB_SIZE = 64
N_LOC = 10000
B, M, L_MAX = 32, 100, 100


def setup_inputs(seed: int = 0) -> dict:
    key = jax.random.key(seed)
    k1, k2, k3, k4, k5, k6, k7, k8 = jax.random.split(key, 8)
    traj_loc = jax.random.randint(k1, (B, M), 1, N_LOC + 1, dtype=jnp.int64 if jax.config.jax_enable_x64 else jnp.int32)
    mat2 = jax.random.uniform(k2, (N_LOC, L_MAX), dtype=jnp.float32)
    vec = jax.random.uniform(k3, (B, M), dtype=jnp.float32)
    traj_len = jax.random.randint(k4, (B,), 1, M + 1, dtype=jnp.int64 if jax.config.jax_enable_x64 else jnp.int32)
    emb_su = jax.random.normal(k5, (2, EMB_SIZE), dtype=jnp.float32)
    emb_sl = jax.random.normal(k6, (2, EMB_SIZE), dtype=jnp.float32)
    emb_tu = jax.random.normal(k7, (2, EMB_SIZE), dtype=jnp.float32)
    emb_tl = jax.random.normal(k8, (2, EMB_SIZE), dtype=jnp.float32)
    return {"traj_loc": traj_loc, "mat2": mat2, "vec": vec, "traj_len": traj_len, "l_max": L_MAX,
            "emb_su": emb_su, "emb_sl": emb_sl, "emb_tu": emb_tu, "emb_tl": emb_tl}


def reference(traj_loc, mat2, vec, traj_len, l_max, emb_su, emb_sl, emb_tu, emb_tl):
    b, m = vec.shape
    l_static = mat2.shape[1]
    # delta_t = vec.unsqueeze(-1).expand(-1,-1,l_max)  (only used as a shape template)
    # mask[i, :traj_len[i]] = 1 ; delta_s[i, :traj_len[i]] = mat2[traj_loc[i]-1][:traj_len[i]]
    valid = jnp.arange(m)[None, :] < traj_len[:, None]            # [B, M] bool
    mask = jnp.broadcast_to(valid[:, :, None], (b, m, l_static)).astype(jnp.int32)  # [B, M, L]
    col_valid = jnp.arange(l_static)[None, None, :] < l_max        # [1, 1, L] bool, always True
    gathered = jnp.take(mat2, traj_loc - 1, axis=0)                # [B, M, L]
    delta_s = jnp.where(valid[:, :, None] & col_valid, gathered, 0.0)  # [B, M, L]
    esl = jnp.take(emb_sl, mask, axis=0)                           # [B, M, L, E]
    esu = jnp.take(emb_su, mask, axis=0)
    etl = jnp.take(emb_tl, mask, axis=0)
    etu = jnp.take(emb_tu, mask, axis=0)
    vsl = (delta_s - SL)[..., None]
    vsu = (SU - delta_s)[..., None]
    vtl = (delta_s - TL)[..., None]
    vtu = (TU - delta_s)[..., None]
    space_interval = (esl * vsu + esu * vsl) / (SU - SL)
    time_interval = (etl * vtu + etu * vtl) / (TU - TL)
    delta = space_interval + time_interval                         # [B, M, L, E]
    return delta

if __name__ == "__main__":
    import jax
    _d = setup_inputs()
    print(jax.jit(kernel)(*tuple(_d.values())))

</pallas_src>

<mosaic_0001>
#map = affine_map<(d0, d1) -> (0, 0)>
#map1 = affine_map<(d0, d1) -> (0)>
module attributes {stable_mosaic.version = 14 : i64} {
  func.func @k(%arg0: i32, %arg1: i32, %arg2: memref<10001x128xf32, #tpu.memory_space<hbm>>, %arg3: memref<3200xi32, #tpu.memory_space<hbm>>, %arg4: memref<3200x128xf32, #tpu.memory_space<hbm>>, %arg5: memref<128xi32, #tpu.memory_space<vmem>>, %arg6: memref<128x128xf32, #tpu.memory_space<vmem>>, %arg7: memref<!tpu.dma_semaphore, #tpu.memory_space<semaphore_mem>>) attributes {dimension_semantics = [#tpu.dimension_semantics<core_parallel>, #tpu.dimension_semantics<subcore_parallel>], iteration_bounds = array<i64: 2, 16>, scalar_prefetch = 0 : i64, scratch_operands = 3 : i64, tpu.core_type = #tpu.core_type<sc_vector_subcore>, window_params = [{transform_indices = #map}, {transform_indices = #map1}, {transform_indices = #map}]} {
    %mul3A = arith.constant 2 : i32
    %mul3A_0 = arith.muli %arg1, %mul3A : i32
    %add3A = arith.addi %mul3A_0, %arg0 : i32
    %lt3A = arith.constant 25 : i32
    %lt3A_1 = arith.cmpi slt, %add3A, %lt3A : i32
    %convert_element_type3A = arith.extui %lt3A_1 : i1 to i32
    %cond3A = arith.constant 0 : i32
    %cond3A_2 = arith.cmpi ne, %convert_element_type3A, %cond3A : i32
    scf.if %cond3A_2 {
      %mul3A_3 = arith.constant 128 : i32
      %mul3A_4 = arith.muli %add3A, %mul3A_3 : i32
      "tpu.region"() ({
        %run_scoped3A = tpu.sem_alloc : memref<!tpu.dma_semaphore, #tpu.memory_space<semaphore_mem>>
        %dma_start3A_9 = tpu.memref_slice %arg3[%mul3A_4] : memref<3200xi32, #tpu.memory_space<hbm>> -> memref<128xi32, #tpu.memory_space<hbm>>
        %dma_start3A_10 = tpu.memref_slice %arg3[%mul3A_4] : memref<3200xi32, #tpu.memory_space<hbm>> -> memref<128xi32, #tpu.memory_space<hbm>>
        tpu.enqueue_dma source(%dma_start3A_10 : memref<128xi32, #tpu.memory_space<hbm>>) target(%arg5 : memref<128xi32, #tpu.memory_space<vmem>>) target_semaphore(%run_scoped3A : memref<!tpu.dma_semaphore, #tpu.memory_space<semaphore_mem>>)
        %dma_wait3A_11 = tpu.memref_slice %arg3[%mul3A_4] : memref<3200xi32, #tpu.memory_space<hbm>> -> memref<128xi32, #tpu.memory_space<hbm>>
        %dma_wait3A_12 = tpu.memref_slice %arg3[%mul3A_4] : memref<3200xi32, #tpu.memory_space<hbm>> -> memref<128xi32, #tpu.memory_space<hbm>>
        tpu.wait_dma2 semaphore(%run_scoped3A : memref<!tpu.dma_semaphore, #tpu.memory_space<semaphore_mem>>) src(%dma_wait3A_12 : memref<128xi32, #tpu.memory_space<hbm>>) dst(%arg5 : memref<128xi32, #tpu.memory_space<vmem>>)
        tpu.yield
      }) : () -> ()
      %dma_start3A = arith.constant 0 : i32
      %dma_start3A_5 = arith.constant 0 : i32
      %dma_start3A_6 = tpu.memref_slice %arg2[%dma_start3A, %dma_start3A_5] : memref<10001x128xf32, #tpu.memory_space<hbm>> -> memref<10001x128xf32, #tpu.memory_space<hbm>>
      tpu.enqueue_indirect_dma source(%dma_start3A_6 : memref<10001x128xf32, #tpu.memory_space<hbm>>) target(%arg6 : memref<128x128xf32, #tpu.memory_space<vmem>>) offsets(%arg5 : memref<128xi32, #tpu.memory_space<vmem>>) semaphore(%arg7 : memref<!tpu.dma_semaphore, #tpu.memory_space<semaphore_mem>>)
      %dma_wait3A = arith.constant 0 : i32
      %dma_wait3A_7 = arith.constant 0 : i32
      %dma_wait3A_8 = tpu.memref_slice %arg2[%dma_wait3A, %dma_wait3A_7] : memref<10001x128xf32, #tpu.memory_space<hbm>> -> memref<10001x128xf32, #tpu.memory_space<hbm>>
      tpu.wait_indirect_dma semaphore(%arg7 : memref<!tpu.dma_semaphore, #tpu.memory_space<semaphore_mem>>) src(%dma_wait3A_8 : memref<10001x128xf32, #tpu.memory_space<hbm>>) dst(%arg6 : memref<128x128xf32, #tpu.memory_space<vmem>>)
      "tpu.region"() ({
        %run_scoped3A = tpu.sem_alloc : memref<!tpu.dma_semaphore, #tpu.memory_space<semaphore_mem>>
        %dma_start3A_9 = arith.constant 0 : i32
        %dma_start3A_10 = tpu.memref_slice %arg4[%mul3A_4, %dma_start3A_9] : memref<3200x128xf32, #tpu.memory_space<hbm>> -> memref<128x128xf32, #tpu.memory_space<hbm>>
        %dma_start3A_11 = arith.constant 0 : i32
        %dma_start3A_12 = tpu.memref_slice %arg4[%mul3A_4, %dma_start3A_11] : memref<3200x128xf32, #tpu.memory_space<hbm>> -> memref<128x128xf32, #tpu.memory_space<hbm>>
        tpu.enqueue_dma source(%arg6 : memref<128x128xf32, #tpu.memory_space<vmem>>) target(%dma_start3A_12 : memref<128x128xf32, #tpu.memory_space<hbm>>) target_semaphore(%run_scoped3A : memref<!tpu.dma_semaphore, #tpu.memory_space<semaphore_mem>>)
        %dma_wait3A_13 = arith.constant 0 : i32
        %dma_wait3A_14 = tpu.memref_slice %arg4[%mul3A_4, %dma_wait3A_13] : memref<3200x128xf32, #tpu.memory_space<hbm>> -> memref<128x128xf32, #tpu.memory_space<hbm>>
        %dma_wait3A_15 = arith.constant 0 : i32
        %dma_wait3A_16 = tpu.memref_slice %arg4[%mul3A_4, %dma_wait3A_15] : memref<3200x128xf32, #tpu.memory_space<hbm>> -> memref<128x128xf32, #tpu.memory_space<hbm>>
        tpu.wait_dma2 semaphore(%run_scoped3A : memref<!tpu.dma_semaphore, #tpu.memory_space<semaphore_mem>>) src(%arg6 : memref<128x128xf32, #tpu.memory_space<vmem>>) dst(%dma_wait3A_16 : memref<128x128xf32, #tpu.memory_space<hbm>>)
        tpu.yield
      }) : () -> ()
    } else {
    }
    return
  }
}

module attributes {stable_mosaic.version = 14 : i64} {
  func.func @_expand_kernel(%arg0: i32, %arg1: memref<32xi32, #tpu.memory_space<smem>>, %arg2: memref<1xi32, #tpu.memory_space<smem>>, %arg3: memref<1x200x128xf32, #tpu.memory_space<vmem>>, %arg4: memref<2x64xf32, #tpu.memory_space<vmem>>, %arg5: memref<2x64xf32, #tpu.memory_space<vmem>>, %arg6: memref<2x64xf32, #tpu.memory_space<vmem>>, %arg7: memref<2x64xf32, #tpu.memory_space<vmem>>, %arg8: memref<2x100x100x64xf32, #tpu.memory_space<vmem>>) attributes {dimension_semantics = [#tpu.dimension_semantics<arbitrary>], iteration_bounds = array<i64: 16>, scalar_prefetch = 2 : i64, scratch_operands = 0 : i64, tpu.core_type = #tpu.core_type<tc>, window_params = [{transform_indices = @transform_0, window_bounds = array<i64: 1, 200, 128>}, {pipeline_mode = #tpu.pipeline_mode<synchronous>, transform_indices = @transform_1, window_bounds = array<i64: 2, 64>}, {pipeline_mode = #tpu.pipeline_mode<synchronous>, transform_indices = @transform_2, window_bounds = array<i64: 2, 64>}, {pipeline_mode = #tpu.pipeline_mode<synchronous>, transform_indices = @transform_3, window_bounds = array<i64: 2, 64>}, {pipeline_mode = #tpu.pipeline_mode<synchronous>, transform_indices = @transform_4, window_bounds = array<i64: 2, 64>}, {transform_indices = @transform_5, window_bounds = array<i64: 2, 100, 100, 64>}]} {
    %get3A = arith.constant 0 : index
    %get3A_0 = memref.load %arg2[%get3A] : memref<1xi32, #tpu.memory_space<smem>>
    %iota3A = tpu.iota {dimensions = array<i32: 0>} : vector<200x1xi32>
    %jit3A = arith.constant 100 : i32
    %eq3A = arith.constant 0 : i32
    %eq3A_1 = arith.cmpi eq, %jit3A, %eq3A : i32
    %jit3A_2 = arith.constant 1 : i32
    %select_n3A = arith.select %eq3A_1, %jit3A_2, %jit3A : i32
    %rem3A = vector.broadcast %select_n3A : i32 to vector<200x1xi32>
    %rem3A_3 = arith.remsi %iota3A, %rem3A : vector<200x1xi32>
    %ne3A = arith.constant 0 : i32
    %ne3A_4 = vector.broadcast %ne3A : i32 to vector<200x1xi32>
    %ne3A_5 = arith.cmpi ne, %rem3A_3, %ne3A_4 : vector<200x1xi32>
    %lt3A = arith.constant 0 : i32
    %lt3A_6 = vector.broadcast %lt3A : i32 to vector<200x1xi32>
    %lt3A_7 = arith.cmpi slt, %rem3A_3, %lt3A_6 : vector<200x1xi32>
    %lt3A_8 = arith.constant 0 : i32
    %lt3A_9 = arith.cmpi slt, %select_n3A, %lt3A_8 : i32
    %ne3A_10 = vector.broadcast %lt3A_9 : i1 to vector<200x1xi1>
    %ne3A_11 = vector.broadcast %ne3A_10 : vector<200x1xi1> to vector<200x1xi1>
    %ne3A_12 = arith.xori %lt3A_7, %ne3A_11 : vector<200x1xi1>
    %and3A = arith.andi %ne3A_12, %ne3A_5 : vector<200x1xi1>
    %add3A = vector.broadcast %select_n3A : i32 to vector<200x1xi32>
    %add3A_13 = arith.addi %rem3A_3, %add3A : vector<200x1xi32>
    %select_n3A_14 = arith.select %and3A, %add3A_13, %rem3A_3 : vector<200x1xi1>, vector<200x1xi32>
    %mul3A = arith.constant 2 : i32
    %mul3A_15 = arith.muli %arg0, %mul3A : i32
    %get3A_16 = arith.index_cast %mul3A_15 : i32 to index
    %get3A_17 = memref.load %arg1[%get3A_16] : memref<32xi32, #tpu.memory_space<smem>>
    %ge3A = arith.constant 100 : i32
    %ge3A_18 = vector.broadcast %ge3A : i32 to vector<200x1xi32>
    %ge3A_19 = arith.cmpi sge, %iota3A, %ge3A_18 : vector<200x1xi32>
    %mul3A_20 = arith.constant 2 : i32
    %mul3A_21 = arith.muli %arg0, %mul3A_20 : i32
    %add3A_22 = arith.constant 1 : i32
    %add3A_23 = arith.addi %mul3A_21, %add3A_22 : i32
    %get3A_24 = arith.index_cast %add3A_23 : i32 to index
    %get3A_25 = memref.load %arg1[%get3A_24] : memref<32xi32, #tpu.memory_space<smem>>
    %broadcast_in_dim3A = vector.broadcast %get3A_25 : i32 to vector<200x1xi32>
    %broadcast_in_dim3A_26 = vector.broadcast %get3A_17 : i32 to vector<200x1xi32>
    %select_n3A_27 = arith.select %ge3A_19, %broadcast_in_dim3A, %broadcast_in_dim3A_26 : vector<200x1xi1>, vector<200x1xi32>
    %lt3A_28 = arith.cmpi slt, %select_n3A_14, %select_n3A_27 : vector<200x1xi32>
    %iota3A_29 = tpu.iota {dimensions = array<i32: 1>} : vector<200x100xi32>
    %lt3A_30 = vector.broadcast %get3A_0 : i32 to vector<200x100xi32>
    %lt3A_31 = arith.cmpi slt, %iota3A_29, %lt3A_30 : vector<200x100xi32>
    %and3A_32 = vector.broadcast %lt3A_28 : vector<200x1xi1> to vector<200x100xi1>
    %and3A_33 = arith.andi %and3A_32, %lt3A_31 : vector<200x100xi1>
    %get3A_34 = arith.constant 0 : index
    %get3A_35 = arith.constant 0 : index
    %get3A_36 = arith.constant 0 : index
    %get3A_37 = vector.load %arg3[%get3A_34, %get3A_35, %get3A_36] : memref<1x200x128xf32, #tpu.memory_space<vmem>>, vector<1x200x100xf32>
    %get3A_38 = vector.shape_cast %get3A_37 : vector<1x200x100xf32> to vector<200x100xf32>
    %jit3A_39 = arith.constant 0.000000e+00 : f32
    %broadcast_in_dim3A_40 = vector.broadcast %jit3A_39 : f32 to vector<200x100xf32>
    %select_n3A_41 = arith.select %and3A_33, %get3A_38, %broadcast_in_dim3A_40 : vector<200x100xi1>, vector<200x100xf32>
    %get3A_42 = arith.constant 0 : index
    %get3A_43 = arith.constant 0 : index
    %get3A_44 = vector.load %arg5[%get3A_42, %get3A_43] : memref<2x64xf32, #tpu.memory_space<vmem>>, vector<2x64xf32>
    %mul3A_45 = arith.constant 1.000000e+03 : f32
    %mul3A_46 = vector.broadcast %mul3A_45 : f32 to vector<2x64xf32>
    %mul3A_47 = arith.mulf %get3A_44, %mul3A_46 : vector<2x64xf32>
    %get3A_48 = arith.constant 0 : index
    %get3A_49 = arith.constant 0 : index
    %get3A_50 = vector.load %arg4[%get3A_48, %get3A_49] : memref<2x64xf32, #tpu.memory_space<vmem>>, vector<2x64xf32>
    %mul3A_51 = arith.constant 0.000000e+00 : f32
    %mul3A_52 = vector.broadcast %mul3A_51 : f32 to vector<2x64xf32>
    %mul3A_53 = arith.mulf %get3A_50, %mul3A_52 : vector<2x64xf32>
    %sub3A = arith.subf %mul3A_47, %mul3A_53 : vector<2x64xf32>
    %mul3A_54 = arith.constant 1.000000e-03 : f32
    %mul3A_55 = vector.broadcast %mul3A_54 : f32 to vector<2x64xf32>
    %mul3A_56 = arith.mulf %sub3A, %mul3A_55 : vector<2x64xf32>
    %get3A_57 = arith.constant 0 : index
    %get3A_58 = arith.constant 0 : index
    %get3A_59 = vector.load %arg7[%get3A_57, %get3A_58] : memref<2x64xf32, #tpu.memory_space<vmem>>, vector<2x64xf32>
    %mul3A_60 = arith.constant 5.000000e+02 : f32
    %mul3A_61 = vector.broadcast %mul3A_60 : f32 to vector<2x64xf32>
    %mul3A_62 = arith.mulf %get3A_59, %mul3A_61 : vector<2x64xf32>
    %get3A_63 = arith.constant 0 : index
    %get3A_64 = arith.constant 0 : index
    %get3A_65 = vector.load %arg6[%get3A_63, %get3A_64] : memref<2x64xf32, #tpu.memory_space<vmem>>, vector<2x64xf32>
    %mul3A_66 = arith.constant 0.000000e+00 : f32
    %mul3A_67 = vector.broadcast %mul3A_66 : f32 to vector<2x64xf32>
    %mul3A_68 = arith.mulf %get3A_65, %mul3A_67 : vector<2x64xf32>
    %sub3A_69 = arith.subf %mul3A_62, %mul3A_68 : vector<2x64xf32>
    %mul3A_70 = arith.constant 2.000000e-03 : f32
    %mul3A_71 = vector.broadcast %mul3A_70 : f32 to vector<2x64xf32>
    %mul3A_72 = arith.mulf %sub3A_69, %mul3A_71 : vector<2x64xf32>
    %add3A_73 = arith.addf %mul3A_56, %mul3A_72 : vector<2x64xf32>
    %get3A_74 = arith.constant 0 : index
    %get3A_75 = arith.constant 0 : index
    %get3A_76 = vector.load %arg4[%get3A_74, %get3A_75] : memref<2x64xf32, #tpu.memory_space<vmem>>, vector<2x64xf32>
    %get3A_77 = arith.constant 0 : index
    %get3A_78 = arith.constant 0 : index
    %get3A_79 = vector.load %arg5[%get3A_77, %get3A_78] : memref<2x64xf32, #tpu.memory_space<vmem>>, vector<2x64xf32>
    %sub3A_80 = arith.subf %get3A_76, %get3A_79 : vector<2x64xf32>
    %mul3A_81 = arith.constant 1.000000e-03 : f32
    %mul3A_82 = vector.broadcast %mul3A_81 : f32 to vector<2x64xf32>
    %mul3A_83 = arith.mulf %sub3A_80, %mul3A_82 : vector<2x64xf32>
    %get3A_84 = arith.constant 0 : index
    %get3A_85 = arith.constant 0 : index
    %get3A_86 = vector.load %arg6[%get3A_84, %get3A_85] : memref<2x64xf32, #tpu.memory_space<vmem>>, vector<2x64xf32>
    %get3A_87 = arith.constant 0 : index
    %get3A_88 = arith.constant 0 : index
    %get3A_89 = vector.load %arg7[%get3A_87, %get3A_88] : memref<2x64xf32, #tpu.memory_space<vmem>>, vector<2x64xf32>
    %sub3A_90 = arith.subf %get3A_86, %get3A_89 : vector<2x64xf32>
    %mul3A_91 = arith.constant 2.000000e-03 : f32
    %mul3A_92 = vector.broadcast %mul3A_91 : f32 to vector<2x64xf32>
    %mul3A_93 = arith.mulf %sub3A_90, %mul3A_92 : vector<2x64xf32>
    %add3A_94 = arith.addf %mul3A_83, %mul3A_93 : vector<2x64xf32>
    %slice3A = vector.extract_strided_slice %add3A_73 {offsets = [1, 0], sizes = [1, 64], strides = [1, 1]} : vector<2x64xf32> to vector<1x64xf32>
    %slice3A_95 = vector.extract_strided_slice %add3A_73 {offsets = [0, 0], sizes = [1, 64], strides = [1, 1]} : vector<2x64xf32> to vector<1x64xf32>
    %broadcast_in_dim3A_96 = vector.shape_cast %lt3A_28 : vector<200x1xi1> to vector<200x1xi1>
    %broadcast_in_dim3A_97 = vector.broadcast %broadcast_in_dim3A_96 : vector<200x1xi1> to vector<200x64xi1>
    %broadcast_in_dim3A_98 = vector.shape_cast %slice3A : vector<1x64xf32> to vector<1x64xf32>
    %broadcast_in_dim3A_99 = vector.broadcast %broadcast_in_dim3A_98 : vector<1x64xf32> to vector<200x64xf32>
    %broadcast_in_dim3A_100 = vector.shape_cast %slice3A_95 : vector<1x64xf32> to vector<1x64xf32>
    %broadcast_in_dim3A_101 = vector.broadcast %broadcast_in_dim3A_100 : vector<1x64xf32> to vector<200x64xf32>
    %select_n3A_102 = arith.select %broadcast_in_dim3A_97, %broadcast_in_dim3A_99, %broadcast_in_dim3A_101 : vector<200x64xi1>, vector<200x64xf32>
    %slice3A_103 = vector.extract_strided_slice %add3A_94 {offsets = [1, 0], sizes = [1, 64], strides = [1, 1]} : vector<2x64xf32> to vector<1x64xf32>
    %slice3A_104 = vector.extract_strided_slice %add3A_94 {offsets = [0, 0], sizes = [1, 64], strides = [1, 1]} : vector<2x64xf32> to vector<1x64xf32>
    %broadcast_in_dim3A_105 = vector.shape_cast %lt3A_28 : vector<200x1xi1> to vector<200x1xi1>
    %broadcast_in_dim3A_106 = vector.broadcast %broadcast_in_dim3A_105 : vector<200x1xi1> to vector<200x64xi1>
    %broadcast_in_dim3A_107 = vector.shape_cast %slice3A_103 : vector<1x64xf32> to vector<1x64xf32>
    %broadcast_in_dim3A_108 = vector.broadcast %broadcast_in_dim3A_107 : vector<1x64xf32> to vector<200x64xf32>
    %broadcast_in_dim3A_109 = vector.shape_cast %slice3A_104 : vector<1x64xf32> to vector<1x64xf32>
    %broadcast_in_dim3A_110 = vector.broadcast %broadcast_in_dim3A_109 : vector<1x64xf32> to vector<200x64xf32>
    %select_n3A_111 = arith.select %broadcast_in_dim3A_106, %broadcast_in_dim3A_108, %broadcast_in_dim3A_110 : vector<200x64xi1>, vector<200x64xf32>
    %broadcast_in_dim3A_112 = vector.shape_cast %select_n3A_102 : vector<200x64xf32> to vector<200x1x64xf32>
    %broadcast_in_dim3A_113 = vector.shape_cast %select_n3A_111 : vector<200x64xf32> to vector<200x1x64xf32>
    %broadcast_in_dim3A_114 = vector.shape_cast %select_n3A_41 : vector<200x100xf32> to vector<200x100x1xf32>
    %mul3A_115 = vector.broadcast %broadcast_in_dim3A_113 : vector<200x1x64xf32> to vector<200x100x64xf32>
    %mul3A_116 = vector.broadcast %broadcast_in_dim3A_114 : vector<200x100x1xf32> to vector<200x100x64xf32>
    %mul3A_117 = arith.mulf %mul3A_115, %mul3A_116 : vector<200x100x64xf32>
    %add3A_118 = vector.broadcast %broadcast_in_dim3A_112 : vector<200x1x64xf32> to vector<200x100x64xf32>
    %add3A_119 = arith.addf %add3A_118, %mul3A_117 : vector<200x100x64xf32>
    %slice3A_120 = vector.extract_strided_slice %add3A_119 {offsets = [0, 0, 0], sizes = [100, 100, 64], strides = [1, 1, 1]} : vector<200x100x64xf32> to vector<100x100x64xf32>
    %swap3A = arith.constant 0 : index
    %swap3A_121 = arith.constant 0 : index
    %swap3A_122 = arith.constant 0 : index
    %swap3A_123 = arith.constant 0 : index
    %swap3A_124 = vector.load %arg8[%swap3A, %swap3A_121, %swap3A_122, %swap3A_123] : memref<2x100x100x64xf32, #tpu.memory_space<vmem>>, vector<1x100x100x64xf32>
    %swap3A_125 = vector.shape_cast %swap3A_124 : vector<1x100x100x64xf32> to vector<100x100x64xf32>
    %swap3A_126 = vector.shape_cast %slice3A_120 : vector<100x100x64xf32> to vector<1x100x100x64xf32>
    tpu.vector_store %arg8[%swap3A, %swap3A_121, %swap3A_122, %swap3A_123], %swap3A_126 {strides = array<i32>} : memref<2x100x100x64xf32, #tpu.memory_space<vmem>>, vector<1x100x100x64xf32>,
    %slice3A_127 = vector.extract_strided_slice %add3A_119 {offsets = [100, 0, 0], sizes = [100, 100, 64], strides = [1, 1, 1]} : vector<200x100x64xf32> to vector<100x100x64xf32>
    %swap3A_128 = arith.constant 1 : index
    %swap3A_129 = arith.constant 0 : index
    %swap3A_130 = arith.constant 0 : index
    %swap3A_131 = arith.constant 0 : index
    %swap3A_132 = vector.load %arg8[%swap3A_128, %swap3A_129, %swap3A_130, %swap3A_131] : memref<2x100x100x64xf32, #tpu.memory_space<vmem>>, vector<1x100x100x64xf32>
    %swap3A_133 = vector.shape_cast %swap3A_132 : vector<1x100x100x64xf32> to vector<100x100x64xf32>
    %swap3A_134 = vector.shape_cast %slice3A_127 : vector<100x100x64xf32> to vector<1x100x100x64xf32>
    tpu.vector_store %arg8[%swap3A_128, %swap3A_129, %swap3A_130, %swap3A_131], %swap3A_134 {strides = array<i32>} : memref<2x100x100x64xf32, #tpu.memory_space<vmem>>, vector<1x100x100x64xf32>,
    return
  }
  func.func @transform_0(%arg0: i32, %arg1: memref<32xi32, #tpu.memory_space<smem>>, %arg2: memref<1xi32, #tpu.memory_space<smem>>) -> (i32, i32, i32) {
    %c0_i32 = arith.constant 0 : i32
    %c0_i32_0 = arith.constant 0 : i32
    %c0_i32_1 = arith.constant 0 : i32
    return %arg0, %c0_i32, %c0_i32_0 : i32, i32, i32
  }
  func.func @transform_1(%arg0: i32, %arg1: memref<32xi32, #tpu.memory_space<smem>>, %arg2: memref<1xi32, #tpu.memory_space<smem>>) -> (i32, i32) {
    %c0_i32 = arith.constant 0 : i32
    %c0_i32_0 = arith.constant 0 : i32
    %c0_i32_1 = arith.constant 0 : i32
    return %c0_i32, %c0_i32_0 : i32, i32
  }
  func.func @transform_2(%arg0: i32, %arg1: memref<32xi32, #tpu.memory_space<smem>>, %arg2: memref<1xi32, #tpu.memory_space<smem>>) -> (i32, i32) {
    %c0_i32 = arith.constant 0 : i32
    %c0_i32_0 = arith.constant 0 : i32
    %c0_i32_1 = arith.constant 0 : i32
    return %c0_i32, %c0_i32_0 : i32, i32
  }
  func.func @transform_3(%arg0: i32, %arg1: memref<32xi32, #tpu.memory_space<smem>>, %arg2: memref<1xi32, #tpu.memory_space<smem>>) -> (i32, i32) {
    %c0_i32 = arith.constant 0 : i32
    %c0_i32_0 = arith.constant 0 : i32
    %c0_i32_1 = arith.constant 0 : i32
    return %c0_i32, %c0_i32_0 : i32, i32
  }
  func.func @transform_4(%arg0: i32, %arg1: memref<32xi32, #tpu.memory_space<smem>>, %arg2: memref<1xi32, #tpu.memory_space<smem>>) -> (i32, i32) {
    %c0_i32 = arith.constant 0 : i32
    %c0_i32_0 = arith.constant 0 : i32
    %c0_i32_1 = arith.constant 0 : i32
    return %c0_i32, %c0_i32_0 : i32, i32
  }
  func.func @transform_5(%arg0: i32, %arg1: memref<32xi32, #tpu.memory_space<smem>>, %arg2: memref<1xi32, #tpu.memory_space<smem>>) -> (i32, i32, i32, i32) {
    %c0_i32 = arith.constant 0 : i32
    %c0_i32_0 = arith.constant 0 : i32
    %c0_i32_1 = arith.constant 0 : i32
    %c0_i32_2 = arith.constant 0 : i32
    return %arg0, %c0_i32, %c0_i32_0, %c0_i32_1 : i32, i32, i32, i32
  }
}

</mosaic_0001>

<sc_bundles>
// kernel: kernel.4.cloned.1.call-start
scs
__scs_entry_jumppad:
0x0: {  	(pc) =	sbr.rel $0x88, $3  }
0x1: {  	(tag) =	ssettag $0x0;
	lr =	simm.s32 $0x1  }
0x2: {  	[smem:$0x3F99] =	sst lr;
	_ =	strace $0xD0000000  }
0x3: {  	_ = 	snop  }
0x4: {  	_ = 	snop  }
0x5: {  	_ = 	snop  }
0x6: {  	_ = 	snop  }
0x7: {  	_ = 	snop  }
__scs_overlays_trampoline_lowered:
0x8: {  	[smem:$0x3FA8] =	sst s0  }
0x9: {  	[smem:$0x3FA9] =	sst s1  }
0xa: {  	[smem:$0x3FAA] =	sst s2  }
0xb: {  	[smem:$0x3FAB] =	sst s3  }
0xc: {  	[smem:$0x3FAC] =	sst s4  }
0xd: {  	[smem:$0x3FAD] =	sst s5  }
0xe: {  	[smem:$0x3FAE] =	sst s6  }
0xf: {  	[smem:$0x3FAF] =	sst s7  }
0x10: {  	[smem:$0x3FB0] =	sst s8  }
0x11: {  	[smem:$0x3FB1] =	sst s9;
	s0 =	simm.s32 @!p0 $0x0  }
0x12: {  	s1 =	sld [smem:$0x3F97];
	s0 =	simm.s32 @p0 $0x1  }
0x13: {  	[smem:$0x3FB2] =	sst s0;
	s0 =	simm.s32 @!p1 $0x0  }
0x14: {  	s2 =	sld [smem:$0x3F96];
	s0 =	simm.s32 @p1 $0x1  }
0x15: {  	[smem:$0x3FB3] =	sst s0;
	s0 =	simm.s32 @!p2 $0x0  }
0x16: {  	s3 =	sld [smem:$0x3FDB];
	s0 =	simm.s32 @p2 $0x1  }
0x17: {  	s4 =	simm.s32 $0x1BF5;
	[smem:$0x3FB5] =	sst s0  }
0x18: {  	s0 =	sld [smem:$0x3F98];
	_ =	swait.ge [sflag:s4], $0x0  }
0x19: {  	s7 =	sld [smem:$0x3F99]  }
0x1a: {  	s8 =	sadd.s32 $0xFFFFE003, lr  }
0x1b: {  	s9 =	sadd.s32 $0xFFFFFEF7, lr;
	s5 =	simm.s32 $0xFFFFFFFF;
	p2 =	slt.u32 s8, $0xFFFFF086  }
0x1c: {  	p1 =	slt.u32 s9, $0xF7A;
	s5 =	simm.s32 @!p2 $0x0  }
0x1d: {  	s5 =	simm.s32 @p1 $0x1;
	p0 =	seq.s32 s7, s2  }
0x1e: {  	s7 =	smul.u32 @!p0 $0xF7A, s2;
	p2 =	seq.s32 @!p0 s5, $0x0  }
0x1f: {  	s9 =	smul.u32 $0xF7A, s1;
	s8 =	simm.s32 @!p0 $0x1BF5;
	p2 =	por !p2, p0  }
0x20: {  	[sflag:s8] =	ssyncset.s32 @!p0 $0xFFFFF086;
	s6 =	sadd.s32 @!p0 s3, s7;
	s7 =	simm.s32 @!p0 $0x108  }
0x21: {  	s3 =	sadd.s32 s3, s9;
	s6 =	sadd.s32 @!p0 $0x88, s6;
	s7 =	simm.s32 @p2 $0x1082  }
0x22: {  	[simem:s7], [sflag:s8] =	dma.local @!p0 [hbm:s6], $0xF7A  }
0x23: {  	s9 =	sor.u32 $0xD0000000, s2;
	s6 =	simm.s32 $0x108;
	_ =	swait.ge @!p0 [sflag:s8], $0x0  }
0x24: {  	s3 =	sadd.s32 $0x88, s3;
	s6 =	simm.s32 @!p1 $0x1082;
	[sflag:s4] =	ssyncset.s32 $0xFFFFF086  }
0x25: {  	[simem:s6], [sflag:s4] =	dma.local [hbm:s3], $0xF7A  }
0x26: {  	[smem:$0x3F99] =	sst s1;
	(tag) =	ssettag s2;
	_ =	strace s9  }
0x27: {  	s1 =	sld [smem:$0x3FA9]  }
0x28: {  	s2 =	sld [smem:$0x3FAA]  }
0x29: {  	s4 =	sld [smem:$0x3FAC]  }
0x2a: {  	p0 =	seq.s32 s5, $0x0;
	s5 =	sld [smem:$0x3FAD]  }
0x2b: {  	s6 =	sld [smem:$0x3FAE]  }
0x2c: {  	s7 =	sld [smem:$0x3FAF]  }
0x2d: {  	s3 =	simm.s32 $0x108;
	s8 =	sld [smem:$0x3FB0]  }
0x2e: {  	s3 =	simm.s32 @!p0 $0x1082;
	s9 =	sld [smem:$0x3FB1]  }
0x2f: {  	lr =	sadd.s32 s0, s3;
	s0 =	sld [smem:$0x3FA8]  }
0x30: {  	s3 =	sld [smem:$0x3FAB]  }
0x31: {  	[smem:$0x3FB4] =	sst s10  }
0x32: {  	s10 =	sld [smem:$0x3FB2];
	_ =	sdelay $0x3  }
0x33: {  	p0 =	seq.s32 s10, $0x1;
	s10 =	sld [smem:$0x3FB4];
	_ =	sdelay $0x3  }
0x34: {  	[smem:$0x3FB4] =	sst s10  }
0x35: {  	s10 =	sld [smem:$0x3FB3];
	_ =	sdelay $0x3  }
0x36: {  	p1 =	seq.s32 s10, $0x1;
	s10 =	sld [smem:$0x3FB4];
	_ =	sdelay $0x3  }
0x37: {  	[smem:$0x3FB4] =	sst s10  }
0x38: {  	s10 =	sld [smem:$0x3FB5]  }
0x39: {  	_ = 	snop;
	(pc) =	sbr.ind lr, $3  }
0x3a: {  	_ = 	snop  }
0x3b: {  	_ = 	snop  }
0x3c: {  	p2 =	seq.s32 s10, $0x1;
	s10 =	sld [smem:$0x3FB4]  }
0x3d: {  	_ =	shalt  }
0x3e: {  	_ =	shalt  }
0x3f: {  	_ =	shalt  }
0x40: {  	_ =	shalt  }
0x41: {  	_ =	shalt  }
0x42: {  	_ =	shalt  }
0x43: {  	_ =	shalt  }
0x44: {  	_ =	shalt  }
0x45: {  	_ =	shalt  }
0x46: {  	_ =	shalt  }
0x47: {  	_ =	shalt  }
0x48: {  	_ =	shalt  }
0x49: {  	_ =	shalt  }
0x4a: {  	_ =	shalt  }
0x4b: {  	_ =	shalt  }
0x4c: {  	_ =	shalt  }
0x4d: {  	_ =	shalt  }
0x4e: {  	_ =	shalt  }
0x4f: {  	_ =	shalt  }
0x50: {  	_ =	shalt  }
0x51: {  	_ =	shalt  }
0x52: {  	_ =	shalt  }
0x53: {  	_ =	shalt  }
0x54: {  	_ =	shalt  }
0x55: {  	_ =	shalt  }
0x56: {  	_ =	shalt  }
0x57: {  	_ =	shalt  }
0x58: {  	_ =	shalt  }
0x59: {  	_ =	shalt  }
0x5a: {  	_ =	shalt  }
0x5b: {  	_ =	shalt  }
0x5c: {  	_ =	shalt  }
0x5d: {  	_ =	shalt  }
0x5e: {  	_ =	shalt  }
0x5f: {  	_ =	shalt  }
0x60: {  	_ =	shalt  }
0x61: {  	_ =	shalt  }
0x62: {  	_ =	shalt  }
0x63: {  	_ =	shalt  }
0x64: {  	_ =	shalt  }
0x65: {  	_ =	shalt  }
0x66: {  	_ =	shalt  }
0x67: {  	_ =	shalt  }
0x68: {  	_ =	shalt  }
0x69: {  	_ =	shalt  }
0x6a: {  	_ =	shalt  }
0x6b: {  	_ =	shalt  }
0x6c: {  	_ =	shalt  }
0x6d: {  	_ =	shalt  }
0x6e: {  	_ =	shalt  }
0x6f: {  	_ =	shalt  }
0x70: {  	_ =	shalt  }
0x71: {  	_ =	shalt  }
0x72: {  	_ =	shalt  }
0x73: {  	_ =	shalt  }
0x74: {  	_ =	shalt  }
0x75: {  	_ =	shalt  }
0x76: {  	_ =	shalt  }
0x77: {  	_ =	shalt  }
0x78: {  	_ =	shalt  }
0x79: {  	_ =	shalt  }
0x7a: {  	_ =	shalt  }
0x7b: {  	_ =	shalt  }
0x7c: {  	_ =	shalt  }
0x7d: {  	_ =	shalt  }
0x7e: {  	_ =	shalt  }
0x7f: {  	_ =	shalt  }
0x80: {  	_ =	shalt  }
0x81: {  	_ =	shalt  }
0x82: {  	_ =	shalt  }
0x83: {  	_ =	shalt  }
0x84: {  	_ =	shalt  }
0x85: {  	_ =	shalt  }
0x86: {  	_ =	shalt  }
0x87: {  	_ =	shalt  }
.Lfunc_end0:
.L_simem_size_0:
called_computation_lowered:
.L_overlay_start_0:
0x88: {  	s2 =	sld [smem:$0x3FD9]  }
0x89: {  	s3 =	sld [smem:$0x3FFE];
	_ =	sdelay $0x1  }
0x8a: {  	s1 =	srdreg.scid  }
0x8b: {  	s0 =	sand.u32 $0x1, s1  }
0x8c: {  	s17 =	sshll.u32 s0, $0xA;
	s2 =	sadd.s32 s3, s2  }
0x8d: {  	s2 =	sadd.s32 s2, s17  }
0x8e: {  	[smem:$0x3FC0] =	sst s2  }
0x8f: {  	_ = 	snop  }
0x90: {  	s2 =	sld [smem:$0x3FD0];
	(tm) =	ssettm $0x1  }
0x91: {  	s18 =	sld [smem:$0x3FFB];
	_ =	sdelay $0x3  }
0x92: {  	_ =	strace s18  }
0x93: {  	s3 =	sld [smem:$0x3FFC];
	_ =	sdelay $0x3  }
0x94: {  	_ =	strace s3  }
0x95: {  	s3 =	sld [smem:$0x3FFD];
	_ =	sdelay $0x3  }
0x96: {  	_ =	strace s3  }
0x97: {  	_ =	strace $0x8FFFFFFF  }
0x98: {  	s19 =	sld [smem:$0x3FDB];
	_ =	sdelay $0x1  }
0x99: {  	s4 =	simm.s32 $_scs_section_size  }
0x9a: {  	s5 =	simm.s32 $_size__tile_overlayer_lowered;
	s6 =	simm.s32 $_tile_overlayer_lowered  }
0x9b: {  	s22 =	simm.s32 $0x1BFF;
	s21 =	sshll.u32 s6, $0x1;
	s3 =	sadd.s32 s4, s19  }
0x9c: {  	s7 =	simm.s32 $0x0;
	s20 =	sshll.u32 s5, $0x1;
	s5 =	sadd.s32 s21, s3  }
0x9d: {  	[timem:s7], [sflag:s22] =	dma.local [hbm:s5], s20  }
0x9e: {  	_ =	swait.ge [sflag:s22], s20  }
0x9f: {  	s4 =	ssub.s32 $0x0, s20;
	[sflag:s22] =	ssyncset.done $0x0  }
0xa0: {  	[sflag:s22] =	ssyncadd.s32 s4;
	_ =	sdelay $0x1  }
0xa1: {  	s23 =	simm.s32 $0x1B8B  }
0xa2: {  	_ =	swait.ge [sflag:s23], $0x1  }
0xa3: {  	[sflag:s23] =	ssyncset.done $0x0  }
0xa4: {  	s25 =	simm.s32 $0x1B8E;
	s24 =	sld [smem:$0x3FFE];
	[sflag:s23] =	ssyncadd.s32 $0xFFFFFFFF  }
0xa5: {  	s26 =	simm.s32 $execute0_lowered;
	[smem:$0x3FD2] =	sst s25  }
0xa6: {  	s5 =	sshll.u32 s26, $0x1;
	_ =	strace $0x80000046;
	[dreg:$0x1] =	wrdreg $0xFFFFFFFF  }
0xa7: {  	s28 =	simm.s32 $_size_execute0_lowered;
	s3 =	sadd.s32 s3, s5;
	[dreg:$0x0] =	wrdreg $0x0  }
0xa8: {  	s5 =	sshll.u32 s28, $0x1;
	[dreg:$0x2] =	wrdreg s3  }
0xa9: {  	[dreg:$0x3] =	wrdreg s5  }
0xaa: {  	[dreg:$0x4] =	wrdreg $0xC0  }
0xab: {  	_ =	task [dreg:s7], $0x5FFFF  }
0xac: {  	[dreg:$0x1] =	wrdreg $0xFFFFFFFF  }
0xad: {  	[dreg:$0x0] =	wrdreg $0x60  }
0xae: {  	[dreg:$0x2] =	wrdreg s2  }
0xaf: {  	[dreg:$0x3] =	wrdreg s24  }
0xb0: {  	[dreg:$0x4] =	wrdreg $0x9  }
0xb1: {  	_ =	task.clear_ibuf [dreg:s7], $0x5FFFF;
	_ =	strace $0x90000046  }
0xb2: {  	s29 =	simm.s32 $0x9;
	_ =	strace $0x80000048  }
0xb3: {  	_ =	swait.ge [sflag:s29], $0x1  }
0xb4: {  	[sflag:s29] =	ssyncadd.s32 $0xFFFFFFFF  }
0xb5: {  	_ =	strace $0x90000048  }
0xb6: {  	_ =	sfence  }
0xb7: {  	s30 =	sld [smem:$0x0];
	_ =	sdelay $0x2  }
0xb8: {  	s31 =	sshll.u32 s1, $0xD;
	s1 =	sshrl.u32 s1, $0x2  }
0xb9: {  	s3 =	sand.u32 $0x4000, s31;
	s1 =	sadd.s32 s1, s30  }
0xba: {  	s0 =	sor.u32 s3, s0;
	s1 =	sshll.u32 s1, $0x11  }
0xbb: {  	s0 =	sor.u32 s1, s0  }
0xbc: {  	s0 =	sadd.s32 $0x8F2B, s0  }
0xbd: {  	[sflag:s0] =	ssyncadd.remote.s32 $0x1  }
0xbe: {  	_ =	sfence.sel $0xFFFF  }
0xbf: {  	[dreg:$0x0] =	wrdreg $0xFFFFFFFF;
	(pc) =	sbr.abs _section_cstart, $3  }
0xc0: {  	[dreg:$0x1] =	wrdreg $0xFFFFFFFF  }
0xc1: {  	_ =	task.clear_ibuf [dreg:s7], $0x2FFFF;
	_ =	strace $0x9FFFFFFF  }
0xc2: {  	(tm) =	ssettm $0x7FFFFFFF  }
0xc3: {  	_ =	shalt  }
tec
execute0_lowered:
.L_overlay_start_1:
0x0: {  	(tag) =	ssettag $0x1  }
0x1: {  	s1 =	srdreg.scid;
	s0 =	stileid.u32  }
0x2: {  	s6 =	sand.u32 $0x1, s1;
	s4 =	sshll.u32 s0, $0x1  }
0x3: {  	s9 =	sor.u32 s6, s4  }
0x4: {  	p0 =	sgt.u32 s9, $0x18  }
.Ltmp0:
0x5: {  	_ = 	snop;
	(pc) =	sbr.rel @p0 .LBB2_4-.Ltmp0, $4  }
0x6: {  	s2 =	rddreg [dreg:$0x0]  }
0x7: {  	s8 =	rddreg [dreg:$0x1];
	s3 =	simm.s32 $0x0  }
0x8: {  	[smem:$0x7FF] =	sst s3  }
0x9: {  	s1 =	rddreg [dreg:$0x2];
	_ =	strace $0x80000047  }
0xa: {  	s4 =	sadd.s32 $0x1000, s8;
	s5 =	sshll.u32 s9, $0x4  }
0xb: {  	s10 =	ssub.s32 $0x2, s6;
	s5 =	sadd.s32 s4, s5;
	s4 =	simm.s32 $0x2  }
0xc: {  	[tilespmem:s3], [sflag:$0x2] =	stream.linear.gather [hbm4b:s5+s3], $0x80, $0x38;
	[tilespmem:$0x4080] =	vst v63  }
0xd: {  	s6 =	simm.s32 $0x80;
	s11 =	sshrl.u32 s10, $0x1;
	_ =	swait.ge [sflag:s4], $0x80  }
0xe: {  	s7 =	simm.s32 $0x1;
	s31 =	ssub.s32 s10, s11;
	[sflag:s4] =	ssyncset.done $0x0  }
0xf: {  	s29 =	sshll.u32 s9, $0xB;
	s9 =	smax.u32 s31, $0x1;
	[sflag:s4] =	ssyncadd.s32 $0xFFFFFF80  }
0x10: {  	[tilespmem:s6], [sflag:$0x1] =	stream.indirect.gather [hbm4b:s2+s6], $0x80, s3, s6, $0xb8;
	[tilespmem:$0x4080] =	vst v63  }
0x11: {  	p0 =	sne.s32 s9, $0x1;
	_ =	swait.ge [sflag:s7], $0x4000  }
.Ltmp1:
0x12: {  	s30 =	sadd.s32 s29, s8;
	[sflag:s7] =	ssyncset.done $0x0;
	(pc) =	sbr.rel @!p0 .LBB2_3-.Ltmp1, $4  }
0x13: {  	s8 =	sadd.s32 $0x1200, s30;
	[sflag:s7] =	ssyncadd.s32 $0xFFFFC000  }
0x14: {  	[hbm4b:s8+s3] =	stream.linear.scatter [tilespmem:s6], [sflag:$0x2], $0x4000, $0x38;
	[tilespmem:$0x4080] =	vst v63  }
0x15: {  	_ =	swait.ge [sflag:s4], $0x4000  }
0x16: {  	s9 =	sadd.s32 $0xFFFFFFFF, s9;
	[sflag:s4] =	ssyncset.done $0x0  }
.LBB2_2:
0x17: {  	p0 =	sne.s32 s9, $0x1;
	s9 =	sadd.s32 $0xFFFFFFFF, s9;
	[sflag:s4] =	ssyncadd.s32 $0xFFFFC000  }
0x18: {  	[tilespmem:s3], [sflag:$0x2] =	stream.linear.gather [hbm4b:s5+s3], $0x80, $0x38;
	[tilespmem:$0x4080] =	vst v63  }
0x19: {  	_ =	swait.ge [sflag:s4], $0x80  }
0x1a: {  	[sflag:s4] =	ssyncset.done $0x0  }
0x1b: {  	[sflag:s4] =	ssyncadd.s32 $0xFFFFFF80  }
0x1c: {  	[tilespmem:s6], [sflag:$0x1] =	stream.indirect.gather [hbm4b:s2+s6], $0x80, s3, s6, $0xb8;
	[tilespmem:$0x4080] =	vst v63  }
0x1d: {  	_ =	swait.ge [sflag:s7], $0x4000  }
.Ltmp2:
0x1e: {  	[sflag:s7] =	ssyncset.done $0x0;
	(pc) =	sbr.rel @p0 .LBB2_2-.Ltmp2, $4  }
0x1f: {  	[sflag:s7] =	ssyncadd.s32 $0xFFFFC000  }
0x20: {  	[hbm4b:s8+s3] =	stream.linear.scatter [tilespmem:s6], [sflag:$0x2], $0x4000, $0x38;
	[tilespmem:$0x4080] =	vst v63  }
0x21: {  	_ =	swait.ge [sflag:s4], $0x4000  }
0x22: {  	[sflag:s4] =	ssyncset.done $0x0  }
.LBB2_3:
0x23: {  	[sflag:s4] =	ssyncadd.s32 $0xFFFFC000  }
.LBB2_4:
0x24: {  	_ =	sfence.sel $0x180000  }
0x25: {  	[bflag:$0x0] =	sbarrier.arrive $0xFFFF  }
0x26: {  	p0 =	sne.s32 s0, $0x0;
	_ =	strace $0x90000047  }
0x27: {  	s0 =	sadd.s32 @!p0 $0x100000, s1;
	[bflag:$0x2] =	sbarrier.arrive $0xFFFF  }
0x28: {  	[sflag:s0] =	ssyncadd.tile.s32 @!p0 $0x1;
	_ =	shalt  }
.Lfunc_end2:
_tile_overlayer_lowered:
.L_overlay_start_2:
0x29: {  	(tag) =	ssettag $0x2  }
0x2a: {  	s0 =	rddreg [dreg:$0x0];
	s2 =	stileid.u32  }
0x2b: {  	s1 =	rddreg [dreg:$0x1];
	p0 =	sne.s32 s2, $0x0  }
0x2c: {  	s3 =	rddreg [dreg:$0x2];
	[bflag:$0x3] =	sbarrier.arrive $0xFFFF;
	s2 =	simm.s32 @!p0 $0x1C02  }
0x2d: {  	[timem:s3], [sflag:s2] =	dma.local @!p0 [hbm:s0], s1  }
0x2e: {  	s0 =	simm.s32 @!p0 $0x2  }
0x2f: {  	_ =	swait.ge @!p0 [sflag:s0], s1  }
0x30: {  	s1 =	ssub.s32 @!p0 $0x0, s1;
	[sflag:s0] =	ssyncset.done @!p0 $0x0  }
0x31: {  	[sflag:s0] =	ssyncadd.s32 @!p0 s1  }
0x32: {  	[bflag:$0x3] =	sbarrier.arrive $0xFFFF  }
0x33: {  	_ =	shalt  }

</sc_bundles>
